<compile_context>
chip_gen: v7x
topology: tpu7x:2x2x1
jax: 0.10.2.dev20260603
libtpu: 0.0.44.dev20260713+nightly
codegen_flags: <defaults>
</compile_context>

<pallas_src>
import jax
import jax.numpy as jnp
from jax import lax
from jax.experimental import pallas as pl
from jax.experimental.pallas import tpu as pltpu

_K = 512
_D = 96
_ROWS = 8 * 96 * 110 * 110 // _D
_TC = 2200
_STEPS = _ROWS // _TC


def _vq_body(ft_ref, cb_ref, cbT_ref, c2_ref, a2_ref, qt_ref, loss_ref,
             perp_ref, sse_ref, counts_ref):
    i = pl.program_id(0)
    a = ft_ref[0, :, :]
    prod = jnp.dot(cb_ref[:, :], a, preferred_element_type=jnp.float32)
    d2 = jnp.sqrt(jnp.maximum(a2_ref[0, :, :] - 2.0 * prod + c2_ref[:, :],
                              0.0))
    m = jnp.min(d2, axis=0, keepdims=True)
    row = lax.broadcasted_iota(jnp.int32, d2.shape, 0)
    idx = jnp.min(jnp.where(d2 == m, row, _K), axis=0, keepdims=True)
    oh = (row == idx).astype(jnp.float32)
    qt_ref[0, :, :] = jnp.dot(cbT_ref[:, :], oh,
                              preferred_element_type=jnp.float32)
    sse_t = jnp.reshape(jnp.sum(m * m), (1, 1))
    cnt_t = jnp.sum(oh, axis=1, keepdims=True)

    @pl.when(i == 0)
    def _init():
        sse_ref[:, :] = jnp.zeros_like(sse_ref)
        counts_ref[:, :] = jnp.zeros_like(counts_ref)

    sse_ref[:, :] += sse_t
    counts_ref[:, :] += cnt_t

    @pl.when(i == _STEPS - 1)
    def _fin():
        mse = sse_ref[0, 0] / jnp.float32(_ROWS * _D)
        loss_ref[:, :] = jnp.reshape(1.25 * mse, (1, 1))
        p = counts_ref[:, :] / jnp.float32(_ROWS)
        ent = jnp.sum(p * jnp.log(p + 1e-10))
        perp_ref[:, :] = jnp.reshape(jnp.exp(-ent), (1, 1))


def _vq_t(flat3, a23, codebook):
    cbT = codebook.T
    c2 = jnp.sum(codebook ** 2, axis=1)[:, None]
    qt, loss, perp = pl.pallas_call(
        _vq_body,
        grid=(_STEPS,),
        in_specs=[
            pl.BlockSpec((1, _D, _TC), lambda i: (i, 0, 0)),
            pl.BlockSpec((_K, _D), lambda i: (0, 0)),
            pl.BlockSpec((_D, _K), lambda i: (0, 0)),
            pl.BlockSpec((_K, 1), lambda i: (0, 0)),
            pl.BlockSpec((1, 1, _TC), lambda i: (i, 0, 0)),
        ],
        out_specs=[
            pl.BlockSpec((1, _D, _TC), lambda i: (i, 0, 0)),
            pl.BlockSpec((1, 1), lambda i: (0, 0)),
            pl.BlockSpec((1, 1), lambda i: (0, 0)),
        ],
        out_shape=[
            jax.ShapeDtypeStruct((_STEPS, _D, _TC), jnp.float32),
            jax.ShapeDtypeStruct((1, 1), jnp.float32),
            jax.ShapeDtypeStruct((1, 1), jnp.float32),
        ],
        scratch_shapes=[
            pltpu.VMEM((1, 1), jnp.float32),
            pltpu.VMEM((_K, 1), jnp.float32),
        ],
        compiler_params=pltpu.CompilerParams(
            dimension_semantics=("arbitrary",),
        ),
    )(flat3, codebook, cbT, c2, a23)
    return qt, loss[0, 0], perp[0, 0]


def _conv(x, w, b, stride):
    y = lax.conv_general_dilated(x, w, (stride, stride), 'VALID',
                                 dimension_numbers=('NCHW', 'OIHW', 'NCHW'))
    return y + b[None, :, None, None]


def _deconv(x, w, b, stride):
    y = lax.conv_transpose(x, w, (stride, stride), 'VALID',
                           dimension_numbers=('NCHW', 'OIHW', 'NCHW'),
                           transpose_kernel=True)
    return y + b[None, :, None, None]


def kernel(x, conv1_w, conv1_b, conv2_w, conv2_b, codebook,
           deconv1_w, deconv1_b, deconv2_w, deconv2_b):
    z = jax.nn.relu(_conv(x, conv1_w, conv1_b, 2))
    z = jax.nn.relu(_conv(z, conv2_w, conv2_b, 1))
    flat = z.reshape(-1, _D)
    a2 = jnp.sum(flat ** 2, axis=1, keepdims=True)
    flat3 = flat.reshape(_STEPS, _TC, _D).swapaxes(1, 2)
    a23 = jnp.reshape(a2, (_STEPS, 1, _TC))
    qt, loss, perp = _vq_t(flat3, a23, codebook)
    quantized = qt.swapaxes(1, 2).reshape(z.shape)
    h = jax.nn.relu(_deconv(quantized, deconv1_w, deconv1_b, 1))
    x_recon = _deconv(h, deconv2_w, deconv2_b, 2)
    return (x_recon, loss, perp)

# --- scband reference (transcript-rebuilt; emitter-appended) ---
"""Pipeline reference for scband-vqvae-67645734912601 (READ-ONLY COPY).

The authoritative reference and input builder live on the scoring server;
editing this copy changes nothing except your own understanding.
"""

import jax, jax.numpy as jnp
import numpy as np
from jax import lax


def setup_inputs(seed: int = 0) -> dict:
    key = jax.random.key(seed)
    ks = jax.random.split(key, 8)
    B, Cin, H, W = 8, 3, 224, 224
    hid, K, d = 96, 512, 96
    return {
        "x": jax.random.normal(ks[0], (B, Cin, H, W), jnp.float32),
        "conv1_w": jax.random.normal(ks[1], (hid, Cin, 4, 4), jnp.float32) * 0.05,
        "conv1_b": jnp.zeros((hid,), jnp.float32),
        "conv2_w": jax.random.normal(ks[2], (hid, hid, 2, 2), jnp.float32) * 0.05,
        "conv2_b": jnp.zeros((hid,), jnp.float32),
        "codebook": jax.random.uniform(ks[3], (K, d), jnp.float32, minval=-1.0 / K, maxval=1.0 / K),
        "deconv1_w": jax.random.normal(ks[4], (hid, hid, 2, 2), jnp.float32) * 0.05,
        "deconv1_b": jnp.zeros((hid,), jnp.float32),
        "deconv2_w": jax.random.normal(ks[5], (hid, Cin, 4, 4), jnp.float32) * 0.05,
        "deconv2_b": jnp.zeros((Cin,), jnp.float32),
    }


def _conv(x, w, b, stride):
    y = lax.conv_general_dilated(x, w, (stride, stride), 'VALID',
                                 dimension_numbers=('NCHW', 'OIHW', 'NCHW'))
    return y + b[None, :, None, None]


def _deconv(x, w, b, stride):
    # w shape [in, out, kH, kW] like torch ConvTranspose2d; transpose_kernel=True
    # matches torch ConvTranspose2d with padding=0.
    y = lax.conv_transpose(x, w, (stride, stride), 'VALID',
                           dimension_numbers=('NCHW', 'OIHW', 'NCHW'),
                           transpose_kernel=True)
    return y + b[None, :, None, None]


def reference(x, conv1_w, conv1_b, conv2_w, conv2_b, codebook,
              deconv1_w, deconv1_b, deconv2_w, deconv2_b):
    commitment_cost = 0.25
    K, d = codebook.shape
    # Encoder
    z = jax.nn.relu(_conv(x, conv1_w, conv1_b, 2))
    z = jax.nn.relu(_conv(z, conv2_w, conv2_b, 1))
    # Vector quantizer (faithful to torch: reshape(-1, d) in NCHW order)
    flat = z.reshape(-1, d)
    d2 = (jnp.sum(flat ** 2, axis=1, keepdims=True)
          - 2.0 * flat @ codebook.T
          + jnp.sum(codebook ** 2, axis=1)[None, :])
    distances = jnp.sqrt(jnp.maximum(d2, 0.0))
    encoding_indices = jnp.argmin(distances, axis=1)
    encodings = jax.nn.one_hot(encoding_indices, K, dtype=jnp.float32)
    quantized = (encodings @ codebook).reshape(z.shape)
    e_latent_loss = jnp.mean((lax.stop_gradient(quantized) - z) ** 2)
    q_latent_loss = jnp.mean((quantized - lax.stop_gradient(z)) ** 2)
    loss = q_latent_loss + commitment_cost * e_latent_loss
    quantized_st = z + lax.stop_gradient(quantized - z)
    avg_probs = jnp.mean(encodings, axis=0)
    perplexity = jnp.exp(-jnp.sum(avg_probs * jnp.log(avg_probs + 1e-10)))
    # Decoder
    h = jax.nn.relu(_deconv(quantized_st, deconv1_w, deconv1_b, 1))
    x_recon = _deconv(h, deconv2_w, deconv2_b, 2)
    return (x_recon, loss, perplexity)

if __name__ == "__main__":
    import jax
    _d = setup_inputs()
    print(jax.jit(kernel)(*tuple(_d.values())))

</pallas_src>

<mosaic_0001>
module attributes {stable_mosaic.version = 14 : i64} {
  func.func @_vq_body(%arg0: i32, %arg1: memref<1x96x2200xf32, #tpu.memory_space<vmem>>, %arg2: memref<512x96xf32, #tpu.memory_space<vmem>>, %arg3: memref<96x512xf32, #tpu.memory_space<vmem>>, %arg4: memref<512x1xf32, #tpu.memory_space<vmem>>, %arg5: memref<1x1x2200xf32, #tpu.memory_space<vmem>>, %arg6: memref<1x96x2200xf32, #tpu.memory_space<vmem>>, %arg7: memref<1x1xf32, #tpu.memory_space<vmem>>, %arg8: memref<1x1xf32, #tpu.memory_space<vmem>>, %arg9: memref<1x1xf32, #tpu.memory_space<vmem>>, %arg10: memref<512x1xf32, #tpu.memory_space<vmem>>) attributes {dimension_semantics = [#tpu.dimension_semantics<arbitrary>], iteration_bounds = array<i64: 44>, scalar_prefetch = 0 : i64, scratch_operands = 2 : i64, tpu.core_type = #tpu.core_type<tc>, window_params = [{transform_indices = @transform_0, window_bounds = array<i64: 1, 96, 2200>}, {pipeline_mode = #tpu.pipeline_mode<synchronous>, transform_indices = @transform_1, window_bounds = array<i64: 512, 96>}, {pipeline_mode = #tpu.pipeline_mode<synchronous>, transform_indices = @transform_2, window_bounds = array<i64: 96, 512>}, {pipeline_mode = #tpu.pipeline_mode<synchronous>, transform_indices = @transform_3, window_bounds = array<i64: 512, 1>}, {transform_indices = @transform_4, window_bounds = array<i64: 1, 1, 2200>}, {transform_indices = @transform_5, window_bounds = array<i64: 1, 96, 2200>}, {pipeline_mode = #tpu.pipeline_mode<synchronous>, transform_indices = @transform_6, window_bounds = array<i64: 1, 1>}, {pipeline_mode = #tpu.pipeline_mode<synchronous>, transform_indices = @transform_7, window_bounds = array<i64: 1, 1>}]} {
    %get3A = arith.constant 0 : index
    %get3A_0 = arith.constant 0 : index
    %get3A_1 = arith.constant 0 : index
    %get3A_2 = vector.load %arg1[%get3A, %get3A_0, %get3A_1] : memref<1x96x2200xf32, #tpu.memory_space<vmem>>, vector<1x96x2200xf32>
    %get3A_3 = vector.shape_cast %get3A_2 : vector<1x96x2200xf32> to vector<96x2200xf32>
    %get3A_4 = arith.constant 0 : index
    %get3A_5 = arith.constant 0 : index
    %get3A_6 = vector.load %arg2[%get3A_4, %get3A_5] : memref<512x96xf32, #tpu.memory_space<vmem>>, vector<512x96xf32>
    %dot_general3A = arith.constant dense<0.000000e+00> : vector<512x2200xf32>
    %dot_general3A_7 = tpu.matmul %get3A_6, %get3A_3, %dot_general3A {dimension_numbers = #tpu.dot_dimension_numbers<[1], [0], [0], [1], [0, 0, 1, 1], [], []>, transpose_lhs_hint = false} : vector<512x96xf32>, vector<96x2200xf32>, vector<512x2200xf32> -> vector<512x2200xf32>
    %get3A_8 = arith.constant 0 : index
    %get3A_9 = arith.constant 0 : index
    %get3A_10 = arith.constant 0 : index
    %get3A_11 = vector.load %arg5[%get3A_8, %get3A_9, %get3A_10] : memref<1x1x2200xf32, #tpu.memory_space<vmem>>, vector<1x1x2200xf32>
    %get3A_12 = vector.shape_cast %get3A_11 : vector<1x1x2200xf32> to vector<1x2200xf32>
    %mul3A = arith.constant 2.000000e+00 : f32
    %mul3A_13 = vector.broadcast %mul3A : f32 to vector<512x2200xf32>
    %mul3A_14 = arith.mulf %mul3A_13, %dot_general3A_7 : vector<512x2200xf32>
    %sub3A = vector.broadcast %get3A_12 : vector<1x2200xf32> to vector<512x2200xf32>
    %sub3A_15 = arith.subf %sub3A, %mul3A_14 : vector<512x2200xf32>
    %get3A_16 = arith.constant 0 : index
    %get3A_17 = arith.constant 0 : index
    %get3A_18 = vector.load %arg4[%get3A_16, %get3A_17] : memref<512x1xf32, #tpu.memory_space<vmem>>, vector<512x1xf32>
    %add3A = vector.broadcast %get3A_18 : vector<512x1xf32> to vector<512x2200xf32>
    %add3A_19 = arith.addf %sub3A_15, %add3A : vector<512x2200xf32>
    %max3A = arith.constant 0.000000e+00 : f32
    %max3A_20 = vector.broadcast %max3A : f32 to vector<512x2200xf32>
    %max3A_21 = arith.maximumf %add3A_19, %max3A_20 : vector<512x2200xf32>
    %sqrt3A = math.sqrt %max3A_21 : vector<512x2200xf32>
    %reduce_min3A = arith.constant dense<0x7F800000> : vector<2200xf32>
    %reduce_min3A_22 = vector.multi_reduction <minimumf>, %sqrt3A, %reduce_min3A [0] : vector<512x2200xf32> to vector<2200xf32>
    %broadcast_in_dim3A = vector.shape_cast %reduce_min3A_22 : vector<2200xf32> to vector<1x2200xf32>
    %iota3A = tpu.iota {dimensions = array<i32: 0>} : vector<512x2200xi32>
    %eq3A = vector.broadcast %broadcast_in_dim3A : vector<1x2200xf32> to vector<512x2200xf32>
    %eq3A_23 = arith.cmpf oeq, %sqrt3A, %eq3A : vector<512x2200xf32>
    %jit3A = arith.constant 512 : i32
    %broadcast_in_dim3A_24 = vector.broadcast %jit3A : i32 to vector<512x2200xi32>
    %select_n3A = arith.select %eq3A_23, %iota3A, %broadcast_in_dim3A_24 : vector<512x2200xi1>, vector<512x2200xi32>
    %reduce_min3A_25 = arith.constant dense<2147483647> : vector<2200xi32>
    %reduce_min3A_26 = vector.multi_reduction <minsi>, %select_n3A, %reduce_min3A_25 [0] : vector<512x2200xi32> to vector<2200xi32>
    %broadcast_in_dim3A_27 = vector.shape_cast %reduce_min3A_26 : vector<2200xi32> to vector<1x2200xi32>
    %eq3A_28 = vector.broadcast %broadcast_in_dim3A_27 : vector<1x2200xi32> to vector<512x2200xi32>
    %eq3A_29 = arith.cmpi eq, %iota3A, %eq3A_28 : vector<512x2200xi32>
    %convert_element_type3A = arith.extui %eq3A_29 : vector<512x2200xi1> to vector<512x2200xi32>
    %convert_element_type3A_30 = arith.sitofp %convert_element_type3A : vector<512x2200xi32> to vector<512x2200xf32>
    %get3A_31 = arith.constant 0 : index
    %get3A_32 = arith.constant 0 : index
    %get3A_33 = vector.load %arg3[%get3A_31, %get3A_32] : memref<96x512xf32, #tpu.memory_space<vmem>>, vector<96x512xf32>
    %dot_general3A_34 = arith.constant dense<0.000000e+00> : vector<96x2200xf32>
    %dot_general3A_35 = tpu.matmul %get3A_33, %convert_element_type3A_30, %dot_general3A_34 {dimension_numbers = #tpu.dot_dimension_numbers<[1], [0], [0], [1], [0, 0, 1, 1], [], []>, transpose_lhs_hint = false} : vector<96x512xf32>, vector<512x2200xf32>, vector<96x2200xf32> -> vector<96x2200xf32>
    %swap3A = arith.constant 0 : index
    %swap3A_36 = arith.constant 0 : index
    %swap3A_37 = arith.constant 0 : index
    %swap3A_38 = vector.load %arg6[%swap3A, %swap3A_36, %swap3A_37] : memref<1x96x2200xf32, #tpu.memory_space<vmem>>, vector<1x96x2200xf32>
    %swap3A_39 = vector.shape_cast %swap3A_38 : vector<1x96x2200xf32> to vector<96x2200xf32>
    %swap3A_40 = vector.shape_cast %dot_general3A_35 : vector<96x2200xf32> to vector<1x96x2200xf32>
    tpu.vector_store %arg6[%swap3A, %swap3A_36, %swap3A_37], %swap3A_40 {strides = array<i32>} : memref<1x96x2200xf32, #tpu.memory_space<vmem>>, vector<1x96x2200xf32>,
    %mul3A_41 = arith.mulf %broadcast_in_dim3A, %broadcast_in_dim3A : vector<1x2200xf32>
    %reduce_sum3A = vector.shape_cast %mul3A_41 : vector<1x2200xf32> to vector<1x1x2200xf32>
    %reduce_sum3A_42 = arith.constant dense<0.000000e+00> : vector<1xf32>
    %reduce_sum3A_43 = vector.multi_reduction <add>, %reduce_sum3A, %reduce_sum3A_42 [1, 2] : vector<1x1x2200xf32> to vector<1xf32>
    %reduce_sum3A_44 = vector.shape_cast %reduce_sum3A_43 : vector<1xf32> to vector<1x1x1xf32>
    %reduce_sum3A_45 = vector.extract %reduce_sum3A_44[0, 0, 0] : f32 from vector<1x1x1xf32>
    %reshape3A = vector.broadcast %reduce_sum3A_45 : f32 to vector<1x1xf32>
    %reduce_sum3A_46 = arith.constant dense<0.000000e+00> : vector<512xf32>
    %reduce_sum3A_47 = vector.multi_reduction <add>, %convert_element_type3A_30, %reduce_sum3A_46 [1] : vector<512x2200xf32> to vector<512xf32>
    %broadcast_in_dim3A_48 = vector.shape_cast %reduce_sum3A_47 : vector<512xf32> to vector<512x1xf32>
    %eq3A_49 = arith.constant 0 : i32
    %eq3A_50 = arith.cmpi eq, %arg0, %eq3A_49 : i32
    %convert_element_type3A_51 = arith.extui %eq3A_50 : i1 to i32
    %cond3A = arith.constant 0 : i32
    %cond3A_52 = arith.cmpi ne, %convert_element_type3A_51, %cond3A : i32
    scf.if %cond3A_52 {
      %broadcast_in_dim3A_72 = arith.constant 0.000000e+00 : f32
      %broadcast_in_dim3A_73 = vector.broadcast %broadcast_in_dim3A_72 : f32 to vector<1x1xf32>
      %swap3A_74 = arith.constant 0 : index
      %swap3A_75 = arith.constant 0 : index
      %swap3A_76 = vector.load %arg9[%swap3A_74, %swap3A_75] : memref<1x1xf32, #tpu.memory_space<vmem>>, vector<1x1xf32>
      tpu.vector_store %arg9[%swap3A_74, %swap3A_75], %broadcast_in_dim3A_73 {strides = array<i32>} : memref<1x1xf32, #tpu.memory_space<vmem>>, vector<1x1xf32>,
      %broadcast_in_dim3A_77 = arith.constant 0.000000e+00 : f32
      %broadcast_in_dim3A_78 = vector.broadcast %broadcast_in_dim3A_77 : f32 to vector<512x1xf32>
      %swap3A_79 = arith.constant 0 : index
      %swap3A_80 = arith.constant 0 : index
      %swap3A_81 = vector.load %arg10[%swap3A_79, %swap3A_80] : memref<512x1xf32, #tpu.memory_space<vmem>>, vector<512x1xf32>
      tpu.vector_store %arg10[%swap3A_79, %swap3A_80], %broadcast_in_dim3A_78 {strides = array<i32>} : memref<512x1xf32, #tpu.memory_space<vmem>>, vector<512x1xf32>,
    } else {
    }
    %get3A_53 = arith.constant 0 : index
    %get3A_54 = arith.constant 0 : index
    %get3A_55 = vector.load %arg9[%get3A_53, %get3A_54] : memref<1x1xf32, #tpu.memory_space<vmem>>, vector<1x1xf32>
    %add3A_56 = arith.addf %get3A_55, %reshape3A : vector<1x1xf32>
    %swap3A_57 = arith.constant 0 : index
    %swap3A_58 = arith.constant 0 : index
    %swap3A_59 = vector.load %arg9[%swap3A_57, %swap3A_58] : memref<1x1xf32, #tpu.memory_space<vmem>>, vector<1x1xf32>
    tpu.vector_store %arg9[%swap3A_57, %swap3A_58], %add3A_56 {strides = array<i32>} : memref<1x1xf32, #tpu.memory_space<vmem>>, vector<1x1xf32>,
    %get3A_60 = arith.constant 0 : index
    %get3A_61 = arith.constant 0 : index
    %get3A_62 = vector.load %arg10[%get3A_60, %get3A_61] : memref<512x1xf32, #tpu.memory_space<vmem>>, vector<512x1xf32>
    %add3A_63 = arith.addf %get3A_62, %broadcast_in_dim3A_48 : vector<512x1xf32>
    %swap3A_64 = arith.constant 0 : index
    %swap3A_65 = arith.constant 0 : index
    %swap3A_66 = vector.load %arg10[%swap3A_64, %swap3A_65] : memref<512x1xf32, #tpu.memory_space<vmem>>, vector<512x1xf32>
    tpu.vector_store %arg10[%swap3A_64, %swap3A_65], %add3A_63 {strides = array<i32>} : memref<512x1xf32, #tpu.memory_space<vmem>>, vector<512x1xf32>,
    %eq3A_67 = arith.constant 43 : i32
    %eq3A_68 = arith.cmpi eq, %arg0, %eq3A_67 : i32
    %convert_element_type3A_69 = arith.extui %eq3A_68 : i1 to i32
    %cond3A_70 = arith.constant 0 : i32
    %cond3A_71 = arith.cmpi ne, %convert_element_type3A_69, %cond3A_70 : i32
    scf.if %cond3A_71 {
      %get3A_72 = arith.constant 0 : index
      %get3A_73 = arith.constant 0 : index
      %get3A_74 = vector.load %arg9[%get3A_72, %get3A_73] : memref<1x1xf32, #tpu.memory_space<vmem>>, vector<1x1xf32>
      %get3A_75 = vector.extract %get3A_74[0, 0] : f32 from vector<1x1xf32>
      %div3A = arith.constant 9.292800e+06 : f32
      %div3A_76 = arith.divf %get3A_75, %div3A : f32
      %mul3A_77 = arith.constant 1.250000e+00 : f32
      %mul3A_78 = arith.mulf %mul3A_77, %div3A_76 : f32
      %reshape3A_79 = vector.broadcast %mul3A_78 : f32 to vector<1x1xf32>
      %swap3A_80 = arith.constant 0 : index
      %swap3A_81 = arith.constant 0 : index
      %swap3A_82 = vector.load %arg7[%swap3A_80, %swap3A_81] : memref<1x1xf32, #tpu.memory_space<vmem>>, vector<1x1xf32>
      tpu.vector_store %arg7[%swap3A_80, %swap3A_81], %reshape3A_79 {strides = array<i32>} : memref<1x1xf32, #tpu.memory_space<vmem>>, vector<1x1xf32>,
      %get3A_83 = arith.constant 0 : index
      %get3A_84 = arith.constant 0 : index
      %get3A_85 = vector.load %arg10[%get3A_83, %get3A_84] : memref<512x1xf32, #tpu.memory_space<vmem>>, vector<512x1xf32>
      %div3A_86 = arith.constant 9.680000e+04 : f32
      %div3A_87 = vector.broadcast %div3A_86 : f32 to vector<512x1xf32>
      %div3A_88 = arith.divf %get3A_85, %div3A_87 : vector<512x1xf32>
      %add3A_89 = arith.constant 1.000000e-10 : f32
      %add3A_90 = vector.broadcast %add3A_89 : f32 to vector<512x1xf32>
      %add3A_91 = arith.addf %div3A_88, %add3A_90 : vector<512x1xf32>
      %log3A = math.log %add3A_91 : vector<512x1xf32>
      %mul3A_92 = arith.mulf %div3A_88, %log3A : vector<512x1xf32>
      %reduce_sum3A_93 = vector.shape_cast %mul3A_92 : vector<512x1xf32> to vector<1x512x1xf32>
      %reduce_sum3A_94 = arith.constant dense<0.000000e+00> : vector<1xf32>
      %reduce_sum3A_95 = vector.multi_reduction <add>, %reduce_sum3A_93, %reduce_sum3A_94 [1, 2] : vector<1x512x1xf32> to vector<1xf32>
      %reduce_sum3A_96 = vector.shape_cast %reduce_sum3A_95 : vector<1xf32> to vector<1x1x1xf32>
      %reduce_sum3A_97 = vector.extract %reduce_sum3A_96[0, 0, 0] : f32 from vector<1x1x1xf32>
      %neg3A = arith.constant 0.000000e+00 : f32
      %neg3A_98 = arith.subf %neg3A, %reduce_sum3A_97 : f32
      %exp3A = math.exp %neg3A_98 : f32
      %reshape3A_99 = vector.broadcast %exp3A : f32 to vector<1x1xf32>
      %swap3A_100 = arith.constant 0 : index
      %swap3A_101 = arith.constant 0 : index
      %swap3A_102 = vector.load %arg8[%swap3A_100, %swap3A_101] : memref<1x1xf32, #tpu.memory_space<vmem>>, vector<1x1xf32>
      tpu.vector_store %arg8[%swap3A_100, %swap3A_101], %reshape3A_99 {strides = array<i32>} : memref<1x1xf32, #tpu.memory_space<vmem>>, vector<1x1xf32>,
    } else {
    }
    return
  }
  func.func @transform_0(%arg0: i32) -> (i32, i32, i32) {
    %c0_i32 = arith.constant 0 : i32
    %c0_i32_0 = arith.constant 0 : i32
    %c0_i32_1 = arith.constant 0 : i32
    return %arg0, %c0_i32, %c0_i32_0 : i32, i32, i32
  }
  func.func @transform_1(%arg0: i32) -> (i32, i32) {
    %c0_i32 = arith.constant 0 : i32
    %c0_i32_0 = arith.constant 0 : i32
    %c0_i32_1 = arith.constant 0 : i32
    return %c0_i32, %c0_i32_0 : i32, i32
  }
  func.func @transform_2(%arg0: i32) -> (i32, i32) {
    %c0_i32 = arith.constant 0 : i32
    %c0_i32_0 = arith.constant 0 : i32
    %c0_i32_1 = arith.constant 0 : i32
    return %c0_i32, %c0_i32_0 : i32, i32
  }
  func.func @transform_3(%arg0: i32) -> (i32, i32) {
    %c0_i32 = arith.constant 0 : i32
    %c0_i32_0 = arith.constant 0 : i32
    %c0_i32_1 = arith.constant 0 : i32
    return %c0_i32, %c0_i32_0 : i32, i32
  }
  func.func @transform_4(%arg0: i32) -> (i32, i32, i32) {
    %c0_i32 = arith.constant 0 : i32
    %c0_i32_0 = arith.constant 0 : i32
    %c0_i32_1 = arith.constant 0 : i32
    return %arg0, %c0_i32, %c0_i32_0 : i32, i32, i32
  }
  func.func @transform_5(%arg0: i32) -> (i32, i32, i32) {
    %c0_i32 = arith.constant 0 : i32
    %c0_i32_0 = arith.constant 0 : i32
    %c0_i32_1 = arith.constant 0 : i32
    return %arg0, %c0_i32, %c0_i32_0 : i32, i32, i32
  }
  func.func @transform_6(%arg0: i32) -> (i32, i32) {
    %c0_i32 = arith.constant 0 : i32
    %c0_i32_0 = arith.constant 0 : i32
    %c0_i32_1 = arith.constant 0 : i32
    return %c0_i32, %c0_i32_0 : i32, i32
  }
  func.func @transform_7(%arg0: i32) -> (i32, i32) {
    %c0_i32 = arith.constant 0 : i32
    %c0_i32_0 = arith.constant 0 : i32
    %c0_i32_1 = arith.constant 0 : i32
    return %c0_i32, %c0_i32_0 : i32, i32
  }
}

</mosaic_0001>

<sc_bundles>
// kernel: sparse-core-data-format-call.1.cloned.1.call-start
scs
called_computation.1_lowered:
.L_overlay_start_0:
0x0: {  	s1 =	sld [smem:$0x3FD9]  }
0x1: {  	s2 =	sld [smem:$0x3FFE];
	_ =	sdelay $0x1  }
0x2: {  	s3 =	srdreg.scid  }
0x3: {  	s0 =	sand.u32 $0x1, s3  }
0x4: {  	s17 =	sshll.u32 s0, $0xA;
	s1 =	sadd.s32 s2, s1  }
0x5: {  	s1 =	sadd.s32 s1, s17  }
0x6: {  	[smem:$0x3FBE] =	sst s1  }
0x7: {  	_ = 	snop  }
0x8: {  	(tm) =	ssettm $0x1  }
0x9: {  	s18 =	sld [smem:$0x3FFB];
	_ =	sdelay $0x3  }
0xa: {  	_ =	strace s18  }
0xb: {  	s1 =	sld [smem:$0x3FFC];
	_ =	sdelay $0x3  }
0xc: {  	_ =	strace s1  }
0xd: {  	s1 =	sld [smem:$0x3FFD];
	_ =	sdelay $0x3  }
0xe: {  	_ =	strace s1  }
0xf: {  	_ =	strace $0x8FFFFFFF  }
0x10: {  	s19 =	sld [smem:$0x3FDB];
	_ =	sdelay $0x1  }
0x11: {  	s20 =	simm.s32 $_scs_section_size  }
0x12: {  	s4 =	simm.s32 $_size__tile_overlayer_lowered;
	s5 =	simm.s32 $_tile_overlayer_lowered  }
0x13: {  	s23 =	simm.s32 $0x1BFF;
	s22 =	sshll.u32 s5, $0x1;
	s1 =	sadd.s32 s20, s19  }
0x14: {  	s6 =	simm.s32 $0x0;
	s21 =	sshll.u32 s4, $0x1;
	s4 =	sadd.s32 s22, s1  }
0x15: {  	[timem:s6], [sflag:s23] =	dma.local [hbm:s4], s21  }
0x16: {  	_ =	swait.ge [sflag:s23], s21  }
0x17: {  	s2 =	ssub.s32 $0x0, s21;
	[sflag:s23] =	ssyncset.done $0x0  }
0x18: {  	[sflag:s23] =	ssyncadd.s32 s2;
	_ =	sdelay $0x1  }
0x19: {  	s24 =	simm.s32 $0x1B8B  }
0x1a: {  	_ =	swait.ge [sflag:s24], $0x1  }
0x1b: {  	[sflag:s24] =	ssyncset.done $0x0  }
0x1c: {  	s26 =	simm.s32 $0x1B8E;
	s25 =	sld [smem:$0x3FFE];
	[sflag:s24] =	ssyncadd.s32 $0xFFFFFFFF  }
0x1d: {  	s27 =	simm.s32 $execute0_lowered;
	[smem:$0x3FD2] =	sst s26  }
0x1e: {  	s4 =	sshll.u32 s27, $0x1;
	_ =	strace $0x80000046;
	[dreg:$0x1] =	wrdreg $0xFFFFFFFF  }
0x1f: {  	s28 =	simm.s32 $_size_execute0_lowered;
	s1 =	sadd.s32 s1, s4;
	[dreg:$0x0] =	wrdreg $0x0  }
0x20: {  	s4 =	sshll.u32 s28, $0x1;
	[dreg:$0x2] =	wrdreg s1  }
0x21: {  	[dreg:$0x3] =	wrdreg s4  }
0x22: {  	[dreg:$0x4] =	wrdreg $0xC0  }
0x23: {  	_ =	task [dreg:s6], $0x5FFFF  }
0x24: {  	[dreg:$0x1] =	wrdreg $0xFFFFFFFF  }
0x25: {  	[dreg:$0x0] =	wrdreg $0x60  }
0x26: {  	[dreg:$0x2] =	wrdreg s25  }
0x27: {  	[dreg:$0x3] =	wrdreg $0x9  }
0x28: {  	_ =	task.clear_ibuf [dreg:s6], $0x4FFFF;
	_ =	strace $0x90000046  }
0x29: {  	s29 =	simm.s32 $0x9;
	_ =	strace $0x80000048  }
0x2a: {  	_ =	swait.ge [sflag:s29], $0x1  }
0x2b: {  	[sflag:s29] =	ssyncadd.s32 $0xFFFFFFFF  }
0x2c: {  	_ =	strace $0x90000048  }
0x2d: {  	_ =	sfence  }
0x2e: {  	s30 =	sld [smem:$0x0];
	_ =	sdelay $0x2  }
0x2f: {  	s31 =	sshll.u32 s3, $0xD;
	s3 =	sshrl.u32 s3, $0x2  }
0x30: {  	s2 =	sand.u32 $0x4000, s31;
	s1 =	sadd.s32 s3, s30  }
0x31: {  	s0 =	sor.u32 s2, s0;
	s1 =	sshll.u32 s1, $0x11  }
0x32: {  	s0 =	sor.u32 s1, s0  }
0x33: {  	s0 =	sadd.s32 $0x8F2B, s0  }
0x34: {  	[sflag:s0] =	ssyncadd.remote.s32 $0x1  }
0x35: {  	_ =	sfence.sel $0xFFFF  }
0x36: {  	[dreg:$0x0] =	wrdreg $0xFFFFFFFF;
	(pc) =	sbr.abs _section_cstart, $3  }
0x37: {  	[dreg:$0x1] =	wrdreg $0xFFFFFFFF  }
0x38: {  	_ =	task.clear_ibuf [dreg:s6], $0x2FFFF;
	_ =	strace $0x9FFFFFFF  }
0x39: {  	(tm) =	ssettm $0x7FFFFFFF  }
tec
execute0_lowered:
.L_overlay_start_1:
0x0: {  	(tag) =	ssettag $0x1  }
0x1: {  	s0 =	srdreg.scid;
	s4 =	rddreg [dreg:$0x0]  }
0x2: {  	s5 =	simm.s32 $0x1;
	s8 =	simm.s32 $0x2;
	s1 =	sshll.u32 s0, $0x4  }
0x3: {  	s9 =	simm.s32 $0x0;
	s0 =	stileid.u32;
	s1 =	sand.u32 $0x10, s1  }
0x4: {  	p0 =	por $0x0, $0x0;
	s13 =	simm.s32 $0x0;
	s1 =	sor.u32 s0, s1  }
0x5: {  	s14 =	simm.s32 $0x0;
	s10 =	simm.s32 $0x0;
	s2 =	sshrl.u32 s1, $0x2  }
.Ltmp0:
0x6: {  	s1 =	rddreg [dreg:$0x1];
	s3 =	sshll.u32 s2, $0x4;
	(pc) =	sbr.rel .LBB1_1-.Ltmp0, $4  }
0x7: {  	_ =	strace $0x80000047;
	s7 =	sadd.s32 s3, s4;
	s3 =	sand.u32 $0x3, s0  }
0x8: {  	s12 =	simm.s32 $0x0;
	[sflag:s5] =	ssyncpa.u1 $0x0;
	s6 =	ssub.s32 $0x71, s3  }
0x9: {  	s4 =	sadd.s32 $0x1600, s4;
	[sflag:s8] =	ssyncpa.u1 $0x0;
	s6 =	sshrl.u32 s6, $0x2  }
0xa: {  	s7 =	sadd.s32 $0x189600, s7;
	s11 =	smov.u32 s3;
	s8 =	sadd.s32 $0x1, s6  }
.LBB1_7:
0xb: {  	s15 =	smul.u32 $0x3000, s15  }
0xc: {  	s17 =	smul.u32 $0x600, s10  }
0xd: {  	s16 =	sand.u32 $0x1, s12;
	s14 =	smul.u32 $0x29400, s14  }
0xe: {  	s16 =	smul.u32 $0x4080, s16  }
0xf: {  	s17 =	sadd.s32 s4, s17  }
0x10: {  	s15 =	sand.u32 $0x3FFFF000, s15;
	s16 =	sor.u32 $0x8000, s16;
	s14 =	sadd.s32 s14, s17  }
0x11: {  	[hbm4b:s14+s9] =	stream.linear.scatter [tilespmem:s16], [sflag:$0x2], s15, $0x20;
	[tilespmem:$0x10100] =	vst v63  }
.LBB1_8:
0x12: {  	p1 =	slt.u32 s12, $0x2  }
0x13: {  	p2 =	sgt.s32 @!p1 s13, $0x6D  }
0x14: {  	s14 =	smov.u32 s13;
	s15 =	sshra.s32 @!p1 s13, $0x1F;
	p2 =	por !p2, p1  }
0x15: {  	s13 =	sand.u32 @!p1 s15, s13;
	s14 =	simm.s32 @p2 $0x6D  }
0x16: {  	s13 =	ssub.s32 @!p1 s14, s13  }
0x17: {  	s14 =	ssub.s32 @!p1 $0x6E, s13  }
0x18: {  	s13 =	sadd.s32 @!p1 $0xFFFFFF93, s13;
	s14 =	smul.u32 @!p1 $0x3000, s14  }
0x19: {  	p2 =	sgt.s32 @!p1 s13, $0x0  }
0x1a: {  	s15 =	sadd.s32 $0x4, s11;
	p2 =	por !p2, p1;
	s13 =	sand.u32 @!p1 $0x3FFFF000, s14  }
0x1b: {  	s13 =	simm.s32 @!p2 $0x0;
	p2 =	sgt.s32 s15, $0x6D  }
0x1c: {  	s15 =	smov.u32 @p2 s3;
	p2 =	sne.s32 s12, s8  }
.Ltmp1:
0x1d: {  	_ = 	snop;
	(pc) =	sbr.rel @!p2 .LBB1_9-.Ltmp1, $4  }
0x1e: {  	p0 =	por !p0, !p0;
	s14 =	simm.s32 @!p1 $0x2  }
0x1f: {  	_ =	swait.ge @!p1 [sflag:s14], s13;
	s16 =	ssub.s32 @!p1 $0x0, s13;
	s13 =	smov.u32 s10  }
0x20: {  	s12 =	sadd.s32 $0x1, s12;
	s10 =	smov.u32 s11;
	[sflag:s14] =	ssyncset.done @!p1 $0x0  }
0x21: {  	s11 =	smov.u32 s15;
	[sflag:s14] =	ssyncadd.s32 @!p1 s16;
	s14 =	smov.u32 s2  }
.LBB1_1:
0x22: {  	p1 =	sge.u32 s12, s6  }
0x23: {  	p2 =	sgt.s32 @!p1 s11, $0x6D  }
0x24: {  	s15 =	smov.u32 s11;
	s16 =	sshra.s32 @!p1 s11, $0x1F;
	p2 =	por !p2, p1  }
0x25: {  	s16 =	sand.u32 @!p1 s16, s11;
	s15 =	simm.s32 @p2 $0x6D  }
0x26: {  	s15 =	ssub.s32 @!p1 s15, s16  }
0x27: {  	s16 =	ssub.s32 @!p1 $0x6E, s15  }
0x28: {  	s31 =	sadd.s32 $0xFFFFFFFF, s12;
	s16 =	smul.u32 @!p1 $0x3700, s16  }
0x29: {  	s17 =	sxor.u32 @!p1 $0xFFFFFFFF, s12;
	s18 =	simm.s32 @!p1 $0x80;
	s15 =	sadd.s32 @!p1 $0xFFFFFF93, s15  }
0x2a: {  	p2 =	sgt.s32 @!p1 s15, $0x0;
	s15 =	sand.u32 @!p1 $0x3FFFFF00, s16;
	s16 =	smul.u32 @!p1 $0x3700, s11  }
0x2b: {  	s19 =	simm.s32 @!p1 $0x400;
	s17 =	sshll.u32 @!p1 s17, $0xE;
	p2 =	por !p2, p1  }
0x2c: {  	s17 =	sand.u32 @!p1 $0x4000, s17;
	s15 =	simm.s32 @!p2 $0x0;
	s16 =	sadd.s32 @!p1 s16, s7  }
0x2d: {  	[tilespmem:s17], [sflag:$0x1] =	stream.strided.gather @!p1 [hbm4b:s16+s18], s15, s19, s18, $0x38;
	[tilespmem:$0x10100] =	vst v63  }
0x2e: {  	p1 =	sge.u32 s31, s6  }
.Ltmp2:
0x2f: {  	_ = 	snop;
	(pc) =	sbr.rel @p1 .LBB1_8-.Ltmp2, $1  }
0x30: {  	_ =	sdelay $0x3  }
0x31: {  	p1 =	sgt.s32 s10, $0x6D;
	s15 =	smov.u32 s10;
	s16 =	sshra.s32 s10, $0x1F  }
0x32: {  	s15 =	simm.s32 @!p1 $0x6D;
	s16 =	sand.u32 s16, s10  }
0x33: {  	s15 =	ssub.s32 s15, s16  }
0x34: {  	s16 =	sadd.s32 $0xFFFFFF93, s15  }
0x35: {  	s17 =	sadd.s32 $0x1, s10;
	s15 =	ssub.s32 $0x6E, s15;
	p1 =	sgt.s32 s16, $0x0  }
0x36: {  	s15 =	simm.s32 @p1 $0x0;
	p1 =	slt.s32 s17, $0x6E  }
0x37: {  	s17 =	simm.s32 @!p1 $0x6E  }
0x38: {  	s16 =	ssub.s32 s17, s10  }
0x39: {  	s30 =	smul.u32 $0x3700, s15;
	p1 =	slt.s32 s16, $0x1  }
.Ltmp3:
0x3a: {  	_ = 	snop;
	(pc) =	sbr.rel @p1 .LBB1_7-.Ltmp3, $4  }
0x3b: {  	s18 =	sand.u32 $0x3FFFFF00, s30  }
0x3c: {  	_ =	swait.ge [sflag:s5], s18  }
0x3d: {  	s31 =	ssub.s32 $0x0, s18;
	[sflag:s5] =	ssyncset.done $0x0  }
0x3e: {  	[sflag:s5] =	ssyncadd.s32 s31  }
0x3f: {  	s17 =	simm.s32 $0x1  }
0x40: {  	s17 =	simm.s32 @!p0 $0x0  }
0x41: {  	s18 =	smul.u32 $0x10200, s17;
	_ =	sdelay $0x1  }
0x42: {  	s19 =	sshll.u32 s17, $0xE;
	s18 =	sshrl.u32 s18, $0x2  }
0x43: {  	s17 =	sor.u32 $0x8000, s18;
	s18 =	sor.u32 $0x30, s19;
	s19 =	simm.s32 $0x0  }
.LBB1_4:
0x44: {  	v5 =	vld [tilespmem:s18+$0x20]  }
0x45: {  	v4 =	vld [tilespmem:s18+$0xFFFFFFE0]  }
0x46: {  	v0 =	vld [tilespmem:s18+$0xFFFFFFF0]  }
0x47: {  	v2 =	vld [tilespmem:s18+$0x0]  }
0x48: {  	s20 =	sadd.s32 $0x0, s17;
	v1 =	vld [tilespmem:s18+$0x10]  }
0x49: {  	s21 =	simm.s32 $0x4;
	v3 =	vld [tilespmem:s18+$0xFFFFFFD0];
	s22 =	sadd.s32 $0x80, s18;
	[tilespmem:s20+$0x2850 ss:$0x81] =	vst.msk $0xffff, v5  }
.LBB1_5:
0x4a: {  	v5 =	vld [tilespmem:s22+$0x20];
	p1 =	sne.s32 s21, $0x1B4;
	[tilespmem:s20+$0x810 ss:$0x81] =	vst.msk $0xffff, v4;
	s23 =	smov.u32 s21;
	s21 =	sadd.s32 $0x4, s21  }
.Ltmp4:
0x4b: {  	v4 =	vld [tilespmem:s22+$0xFFFFFFE0];
	[tilespmem:s20+$0x1020 ss:$0x81] =	vst.msk $0xffff, v0;
	(pc) =	sbr.rel @p1 .LBB1_5-.Ltmp4, $4  }
0x4c: {  	v0 =	vld [tilespmem:s22+$0xFFFFFFF0];
	[tilespmem:s20+$0x1830 ss:$0x81] =	vst.msk $0xffff, v2  }
0x4d: {  	s23 =	sshra.s32 s23, $0x2;
	v2 =	vld [tilespmem:s22+$0x0];
	[tilespmem:s20+$0x2040 ss:$0x81] =	vst.msk $0xffff, v1  }
0x4e: {  	v1 =	vld [tilespmem:s22+$0x10];
	[tilespmem:s20+$0x0 ss:$0x81] =	vst.msk $0xffff, v3;
	s20 =	sadd.s32 s23, s17  }
0x4f: {  	v3 =	vld [tilespmem:s22+$0xFFFFFFD0];
	[tilespmem:s20+$0x2850 ss:$0x81] =	vst.msk $0xffff, v5;
	s22 =	sadd.s32 $0x80, s22  }
0x50: {  	s19 =	sadd.s32 $0x1, s19  }
0x51: {  	p1 =	sne.s32 s19, s16  }
.Ltmp5:
0x52: {  	[tilespmem:s20+$0x810 ss:$0x81] =	vst.msk $0xffff, v4;
	(pc) =	sbr.rel @p1 .LBB1_4-.Ltmp5, $4  }
.Ltmp6:
0x53: {  	[tilespmem:s20+$0x1020 ss:$0x81] =	vst.msk $0xffff, v0;
	(pc) =	sbr.rel @!p1 .LBB1_7-.Ltmp6, $4  }
0x54: {  	[tilespmem:s20+$0x1830 ss:$0x81] =	vst.msk $0xffff, v2  }
0x55: {  	[tilespmem:s20+$0x2040 ss:$0x81] =	vst.msk $0xffff, v1  }
0x56: {  	s17 =	sadd.s32 $0x4080, s17;
	s18 =	sadd.s32 $0x4000, s18;
	[tilespmem:s20+$0x0 ss:$0x81] =	vst.msk $0xffff, v3  }
0x57: {  	_ = 	snop  }
.LBB1_9:
0x58: {  	_ =	sfence.sel $0x180000  }
0x59: {  	s2 =	simm.s32 $0x1;
	[bflag:$0x0] =	sbarrier.arrive $0xFFFF  }
0x5a: {  	s31 =	simm.s32 $0x2;
	[sflag:s2] =	ssyncpa.u1 $0x1  }
0x5b: {  	[sflag:s31] =	ssyncpa.u1 $0x1  }
0x5c: {  	p0 =	sne.s32 s0, $0x0;
	_ =	strace $0x90000047  }
0x5d: {  	s0 =	sadd.s32 @!p0 $0x100000, s1;
	[bflag:$0x2] =	sbarrier.arrive $0xFFFF  }
0x5e: {  	[sflag:s0] =	ssyncadd.tile.s32 @!p0 $0x1;
	_ =	shalt  }
.Lfunc_end1:
_tile_overlayer_lowered:
.L_overlay_start_2:
0x5f: {  	(tag) =	ssettag $0x2  }
0x60: {  	s0 =	rddreg [dreg:$0x0];
	s2 =	stileid.u32  }
0x61: {  	s1 =	rddreg [dreg:$0x1];
	p0 =	sne.s32 s2, $0x0  }
0x62: {  	s3 =	rddreg [dreg:$0x2];
	[bflag:$0x3] =	sbarrier.arrive $0xFFFF;
	s2 =	simm.s32 @!p0 $0x1C01  }
0x63: {  	[timem:s3], [sflag:s2] =	dma.local @!p0 [hbm:s0], s1  }
0x64: {  	s0 =	simm.s32 @!p0 $0x1  }
0x65: {  	_ =	swait.ge @!p0 [sflag:s0], s1  }
0x66: {  	s1 =	ssub.s32 @!p0 $0x0, s1;
	[sflag:s0] =	ssyncset.done @!p0 $0x0  }
0x67: {  	[sflag:s0] =	ssyncadd.s32 @!p0 s1  }
0x68: {  	[bflag:$0x3] =	sbarrier.arrive $0xFFFF  }
0x69: {  	_ =	shalt  }

// kernel: sparse-core-data-format-call.cloned.1.call-start
scs
called_computation_lowered:
.L_overlay_start_0:
0x0: {  	s1 =	sld [smem:$0x3FD9]  }
0x1: {  	s2 =	sld [smem:$0x3FFE];
	_ =	sdelay $0x1  }
0x2: {  	s3 =	srdreg.scid  }
0x3: {  	s0 =	sand.u32 $0x1, s3  }
0x4: {  	s17 =	sshll.u32 s0, $0xA;
	s1 =	sadd.s32 s2, s1  }
0x5: {  	s1 =	sadd.s32 s1, s17  }
0x6: {  	[smem:$0x3FBE] =	sst s1  }
0x7: {  	_ = 	snop  }
0x8: {  	(tm) =	ssettm $0x1  }
0x9: {  	s18 =	sld [smem:$0x3FFB];
	_ =	sdelay $0x3  }
0xa: {  	_ =	strace s18  }
0xb: {  	s1 =	sld [smem:$0x3FFC];
	_ =	sdelay $0x3  }
0xc: {  	_ =	strace s1  }
0xd: {  	s1 =	sld [smem:$0x3FFD];
	_ =	sdelay $0x3  }
0xe: {  	_ =	strace s1  }
0xf: {  	_ =	strace $0x8FFFFFFF  }
0x10: {  	s19 =	sld [smem:$0x3FDB];
	_ =	sdelay $0x1  }
0x11: {  	s20 =	simm.s32 $_scs_section_size  }
0x12: {  	s4 =	simm.s32 $_size__tile_overlayer_lowered;
	s5 =	simm.s32 $_tile_overlayer_lowered  }
0x13: {  	s23 =	simm.s32 $0x1BFF;
	s22 =	sshll.u32 s5, $0x1;
	s1 =	sadd.s32 s20, s19  }
0x14: {  	s6 =	simm.s32 $0x0;
	s21 =	sshll.u32 s4, $0x1;
	s4 =	sadd.s32 s22, s1  }
0x15: {  	[timem:s6], [sflag:s23] =	dma.local [hbm:s4], s21  }
0x16: {  	_ =	swait.ge [sflag:s23], s21  }
0x17: {  	s2 =	ssub.s32 $0x0, s21;
	[sflag:s23] =	ssyncset.done $0x0  }
0x18: {  	[sflag:s23] =	ssyncadd.s32 s2;
	_ =	sdelay $0x1  }
0x19: {  	s24 =	simm.s32 $0x1B8B  }
0x1a: {  	_ =	swait.ge [sflag:s24], $0x1  }
0x1b: {  	[sflag:s24] =	ssyncset.done $0x0  }
0x1c: {  	s26 =	simm.s32 $0x1B8E;
	s25 =	sld [smem:$0x3FFE];
	[sflag:s24] =	ssyncadd.s32 $0xFFFFFFFF  }
0x1d: {  	s27 =	simm.s32 $execute0_lowered;
	[smem:$0x3FD2] =	sst s26  }
0x1e: {  	s4 =	sshll.u32 s27, $0x1;
	_ =	strace $0x80000049;
	[dreg:$0x1] =	wrdreg $0xFFFFFFFF  }
0x1f: {  	s28 =	simm.s32 $_size_execute0_lowered;
	s1 =	sadd.s32 s1, s4;
	[dreg:$0x0] =	wrdreg $0x0  }
0x20: {  	s4 =	sshll.u32 s28, $0x1;
	[dreg:$0x2] =	wrdreg s1  }
0x21: {  	[dreg:$0x3] =	wrdreg s4  }
0x22: {  	[dreg:$0x4] =	wrdreg $0xC0  }
0x23: {  	_ =	task [dreg:s6], $0x5FFFF  }
0x24: {  	[dreg:$0x1] =	wrdreg $0xFFFFFFFF  }
0x25: {  	[dreg:$0x0] =	wrdreg $0x60  }
0x26: {  	[dreg:$0x2] =	wrdreg s25  }
0x27: {  	[dreg:$0x3] =	wrdreg $0x9  }
0x28: {  	_ =	task.clear_ibuf [dreg:s6], $0x4FFFF;
	_ =	strace $0x90000049  }
0x29: {  	s29 =	simm.s32 $0x9;
	_ =	strace $0x8000004B  }
0x2a: {  	_ =	swait.ge [sflag:s29], $0x1  }
0x2b: {  	[sflag:s29] =	ssyncadd.s32 $0xFFFFFFFF  }
0x2c: {  	_ =	strace $0x9000004B  }
0x2d: {  	_ =	sfence  }
0x2e: {  	s30 =	sld [smem:$0x0];
	_ =	sdelay $0x2  }
0x2f: {  	s31 =	sshll.u32 s3, $0xD;
	s3 =	sshrl.u32 s3, $0x2  }
0x30: {  	s2 =	sand.u32 $0x4000, s31;
	s1 =	sadd.s32 s3, s30  }
0x31: {  	s0 =	sor.u32 s2, s0;
	s1 =	sshll.u32 s1, $0x11  }
0x32: {  	s0 =	sor.u32 s1, s0  }
0x33: {  	s0 =	sadd.s32 $0x8F2B, s0  }
0x34: {  	[sflag:s0] =	ssyncadd.remote.s32 $0x1  }
0x35: {  	_ =	sfence.sel $0xFFFF  }
0x36: {  	[dreg:$0x0] =	wrdreg $0xFFFFFFFF;
	(pc) =	sbr.abs _section_cstart, $3  }
0x37: {  	[dreg:$0x1] =	wrdreg $0xFFFFFFFF  }
0x38: {  	_ =	task.clear_ibuf [dreg:s6], $0x2FFFF;
	_ =	strace $0x9FFFFFFF  }
0x39: {  	(tm) =	ssettm $0x7FFFFFFF  }
tec
execute0_lowered:
.L_overlay_start_1:
0x0: {  	(tag) =	ssettag $0x1  }
0x1: {  	s0 =	srdreg.scid  }
0x2: {  	s29 =	stileid.u32;
	s6 =	rddreg [dreg:$0x0]  }
0x3: {  	_ =	strace $0x8000004A;
	s30 =	simm.s32 $0x1;
	s1 =	sshll.u32 s0, $0x4  }
0x4: {  	s7 =	simm.s32 $0x2;
	s14 =	simm.s32 $0x0;
	s1 =	sand.u32 $0x10, s1  }
0x5: {  	s15 =	simm.s32 $0x0;
	s9 =	simm.s32 $0x0;
	s2 =	sor.u32 s29, s1  }
.Ltmp0:
0x6: {  	s11 =	simm.s32 $0x0;
	s3 =	ssub.s32 $0x4B, s2;
	(pc) =	sbr.rel .LBB1_1-.Ltmp0, $4  }
0x7: {  	s10 =	simm.s32 $0x0;
	s13 =	simm.s32 $0x0;
	s5 =	sshrl.u32 s3, $0x5  }
0x8: {  	s31 =	sadd.s32 $0x3DF600, s6;
	[sflag:s30] =	ssyncpa.u1 $0x0;
	s5 =	smul.u32 $0x12, s5  }
0x9: {  	s23 =	simm.s32 $0x0;
	[dreg:$0x2] =	wrdreg s31;
	[sflag:s7] =	ssyncpa.u1 $0x0  }
0xa: {  	s12 =	smov.u32 s2;
	s3 =	sadd.s32 $0x1600, s6;
	s7 =	sor.u32 $0x1, s5  }
.LBB1_7:
0xb: {  	s1 =	sshll.u32 s9, $0x3  }
0xc: {  	s4 =	sand.u32 $0x7F, s9;
	s1 =	sand.u32 $0xFFFFFC00, s1  }
0xd: {  	s4 =	sor.u32 s4, s1;
	s1 =	smulhi.u32 $0x38E38E39, s1  }
0xe: {  	p0 =	sgt.s32 s9, $0x880;
	s0 =	smov.u32 s9  }
0xf: {  	s0 =	simm.s32 @!p0 $0x880;
	s24 =	smulhi.u32 $0x38E38E39, s4;
	s1 =	sshrl.u32 s1, $0x9  }
0x10: {  	s0 =	sadd.s32 s17, s0;
	s8 =	smulhi.u32 $0x2AAAAAB, s1  }
0x11: {  	s25 =	smul.u32 $0x6C00, s11;
	s6 =	sadd.s32 $0xFFFFF780, s0;
	s0 =	ssub.s32 $0x900, s0  }
0x12: {  	p0 =	sgt.s32 s6, $0x7F;
	s6 =	sshrl.u32 s24, $0x9;
	s8 =	smul.u32 $0x60, s8  }
0x13: {  	s26 =	rddreg [dreg:$0x2];
	s0 =	simm.s32 @p0 $0x0;
	s6 =	smul.u32 $0x900, s6  }
0x14: {  	s29 =	sor.u32 $0x8000, s18;
	s0 =	smul.u32 s0, s16;
	s1 =	ssub.s32 s1, s8  }
0x15: {  	s31 =	simm.s32 $0x4800;
	s4 =	ssub.s32 s4, s6;
	s1 =	smul.u32 $0x120, s1  }
0x16: {  	s0 =	smul.u32 $0x60, s0;
	s6 =	sadd.s32 s26, s25;
	s27 =	sand.u32 $0x7, s4  }
0x17: {  	s4 =	sshrl.u32 s4, $0x3;
	s28 =	sshll.u32 s27, $0x12;
	s1 =	sadd.s32 s1, s6  }
0x18: {  	s0 =	sand.u32 $0x3FFFFFE0, s0;
	s30 =	sor.u32 $0x400, s28;
	s1 =	sadd.s32 s4, s1  }
0x19: {  	[hbm4b:s1+s30] =	stream.strided.scatter [tilespmem:s29], [sflag:$0x2], s0, s31, s30, $0x20;
	[tilespmem:$0x10100] =	vst v63  }
.LBB1_8:
0x1a: {  	p0 =	slt.u32 s13, $0x2  }
0x1b: {  	s1 =	smov.u32 s15;
	s4 =	smov.u32 s14;
	p1 =	sgt.s32 @!p0 s15, $0x2B  }
0x1c: {  	s0 =	sshra.s32 @!p0 s15, $0x1F;
	p2 =	sgt.s32 @!p0 s14, $0x880;
	s6 =	sshra.s32 @!p0 s14, $0x1F  }
0x1d: {  	p1 =	por !p1, p0;
	s0 =	sand.u32 @!p0 s0, s15;
	p2 =	por !p2, p0  }
0x1e: {  	s6 =	sand.u32 @!p0 s6, s14;
	s1 =	simm.s32 @p1 $0x2B;
	s4 =	simm.s32 @p2 $0x880  }
0x1f: {  	s0 =	ssub.s32 @!p0 s1, s0;
	s1 =	ssub.s32 @!p0 s4, s6  }
0x20: {  	s4 =	sadd.s32 @!p0 $0xFFFFFFD5, s0;
	s0 =	ssub.s32 @!p0 $0x2C, s0;
	s6 =	sadd.s32 @!p0 $0xFFFFF780, s1  }
0x21: {  	p1 =	sgt.s32 @!p0 s4, $0x0;
	s0 =	smul.u32 @!p0 $0x60, s0;
	p2 =	sgt.s32 @!p0 s6, $0x7F  }
0x22: {  	s1 =	ssub.s32 @!p0 $0x900, s1;
	p1 =	por !p1, p0;
	p2 =	por !p2, p0  }
0x23: {  	s0 =	simm.s32 @!p1 $0x0;
	s1 =	simm.s32 @!p2 $0x0  }
0x24: {  	s0 =	smul.u32 @!p0 s1, s0;
	s1 =	sadd.s32 $0x80, s10  }
0x25: {  	s8 =	smov.u32 s12;
	s6 =	sadd.s32 $0x20, s12;
	p1 =	sgt.s32 s1, $0x897  }
0x26: {  	s8 =	smov.u32 @p1 s6  }
0x27: {  	s1 =	simm.s32 @p1 $0x0;
	p1 =	sgt.s32 s8, $0x2B  }
0x28: {  	s8 =	smov.u32 @p1 s2;
	p1 =	sne.s32 s13, s7  }
.Ltmp1:
0x29: {  	s14 =	smov.u32 s9;
	(pc) =	sbr.rel @!p1 .LBB1_9-.Ltmp1, $4  }
0x2a: {  	s15 =	smov.u32 s11;
	s4 =	simm.s32 @!p0 $0x2;
	s0 =	sand.u32 @!p0 $0x3FFFFFE0, s0  }
0x2b: {  	s9 =	smov.u32 s10;
	s11 =	smov.u32 s12;
	_ =	swait.ge @!p0 [sflag:s4], s0  }
0x2c: {  	s0 =	ssub.s32 @!p0 $0x0, s0;
	s10 =	smov.u32 s1;
	[sflag:s4] =	ssyncset.done @!p0 $0x0  }
0x2d: {  	s13 =	sadd.s32 $0x1, s13;
	[sflag:s4] =	ssyncadd.s32 @!p0 s0;
	s12 =	smov.u32 s8  }
.LBB1_1:
0x2e: {  	p0 =	sge.u32 s13, s5;
	s17 =	smov.u32 s12;
	s20 =	smov.u32 s10  }
0x2f: {  	s31 =	sadd.s32 $0xFFFFFFFF, s13;
	p1 =	sgt.s32 @!p0 s12, $0x2B;
	s16 =	sand.u32 @!p0 $0x1FFFFFF, s10  }
0x30: {  	s19 =	sshra.s32 @!p0 s12, $0x1F;
	s21 =	sshra.s32 @!p0 s10, $0x1F;
	p1 =	por !p1, p0  }
0x31: {  	s18 =	smulhi.u32 @!p0 $0xEE500F, s16;
	s17 =	simm.s32 @p1 $0x2B;
	p1 =	sgt.s32 @!p0 s10, $0x818  }
0x32: {  	s19 =	sand.u32 @!p0 s19, s12;
	s21 =	sand.u32 @!p0 s21, s10;
	p1 =	por !p1, p0  }
0x33: {  	s17 =	ssub.s32 @!p0 s17, s19;
	s18 =	sshrl.u32 @!p0 s18, $0x3;
	s20 =	simm.s32 @p1 $0x818  }
0x34: {  	s17 =	sadd.s32 @!p0 $0xFFFFFFD5, s17;
	s18 =	smul.u32 @!p0 $0x898, s18;
	s19 =	ssub.s32 @!p0 s20, s21  }
0x35: {  	p1 =	sgt.s32 @!p0 s17, $0x0;
	s17 =	sshll.u32 @!p0 s17, $0x7;
	s20 =	sadd.s32 @!p0 $0xFFFFF7E8, s19  }
0x36: {  	s21 =	smul.u32 @!p0 $0x8980, s12;
	s19 =	ssub.s32 @!p0 $0x898, s19;
	p2 =	sgt.s32 @!p0 s20, $0x7F  }
0x37: {  	s17 =	ssub.s32 @!p0 $0x80, s17;
	p1 =	por !p1, p0;
	p2 =	por !p2, p0  }
0x38: {  	s20 =	sxor.u32 @!p0 $0xFFFFFFFF, s13;
	s17 =	simm.s32 @!p1 $0x0;
	s19 =	simm.s32 @!p2 $0x0  }
0x39: {  	s16 =	ssub.s32 @!p0 s16, s18;
	s18 =	sshll.u32 @!p0 s20, $0xE;
	s17 =	smul.u32 @!p0 s19, s17  }
0x3a: {  	s16 =	sshll.u32 @!p0 s16, $0x4;
	s18 =	sand.u32 @!p0 $0x4000, s18;
	s19 =	sadd.s32 @!p0 s3, s21  }
0x3b: {  	s16 =	sadd.s32 @!p0 s16, s19;
	s19 =	simm.s32 @!p0 $0x0;
	s17 =	sand.u32 @!p0 $0x3FFFFF80, s17  }
0x3c: {  	[tilespmem:s18], [sflag:$0x1] =	stream.linear.gather @!p0 [hbm4b:s16+s19], s17, $0x38;
	[tilespmem:$0x10100] =	vst v63  }
0x3d: {  	p0 =	sge.u32 s31, s5  }
.Ltmp2:
0x3e: {  	_ = 	snop;
	(pc) =	sbr.rel @p0 .LBB1_8-.Ltmp2, $1  }
0x3f: {  	_ =	sdelay $0x3  }
0x40: {  	p0 =	sgt.s32 s11, $0x2B  }
0x41: {  	s16 =	smov.u32 s11;
	s17 =	sshra.s32 s11, $0x1F;
	s18 =	ssub.s32 $0x0, s9  }
0x42: {  	s19 =	sshra.s32 s9, $0x1F;
	s16 =	simm.s32 @!p0 $0x2B;
	s17 =	sand.u32 s17, s11  }
0x43: {  	s20 =	smov.u32 s9;
	p0 =	sgt.s32 s9, $0x818;
	s16 =	ssub.s32 s16, s17  }
0x44: {  	s17 =	sand.u32 s18, s19;
	s20 =	simm.s32 @!p0 $0x818;
	s30 =	sadd.s32 $0xFFFFFFD5, s16  }
0x45: {  	s19 =	sadd.s32 s17, s20;
	s16 =	ssub.s32 $0x2C, s16;
	p0 =	sgt.s32 s30, $0x0  }
0x46: {  	s31 =	sadd.s32 $0xFFFFF7E8, s19;
	s18 =	ssub.s32 $0x898, s19;
	s19 =	sadd.s32 $0x1, s11  }
0x47: {  	s20 =	sadd.s32 $0x80, s9;
	s16 =	simm.s32 @p0 $0x0;
	p0 =	slt.s32 s19, $0x2C  }
0x48: {  	s19 =	simm.s32 @!p0 $0x2C;
	p0 =	slt.s32 s20, $0x898  }
0x49: {  	p1 =	sgt.s32 s31, $0x7F;
	s19 =	ssub.s32 s19, s11;
	s20 =	simm.s32 @!p0 $0x898  }
0x4a: {  	s18 =	simm.s32 @p1 $0x0;
	s20 =	ssub.s32 s20, s9;
	p0 =	slt.s32 s19, $0x1  }
0x4b: {  	s18 =	smul.u32 s18, s16;
	p1 =	slt.s32 @!p0 s20, $0x1  }
0x4c: {  	p1 =	por p0, p1  }
.Ltmp3:
0x4d: {  	s18 =	sshll.u32 s18, $0x7;
	(pc) =	sbr.rel @p1 .LBB1_7-.Ltmp3, $4  }
0x4e: {  	s0 =	simm.s32 $0x1;
	s18 =	sand.u32 $0x3FFFFF80, s18  }
0x4f: {  	_ =	swait.ge [sflag:s0], s18  }
0x50: {  	s21 =	sand.u32 $0x1, s13;
	s18 =	ssub.s32 $0x0, s18;
	[sflag:s0] =	ssyncset.done $0x0  }
0x51: {  	[sflag:s0] =	ssyncadd.s32 s18;
	s18 =	smul.u32 $0x4080, s21  }
0x52: {  	_ = 	snop  }
0x53: {  	s21 =	sshll.u32 @!p0 s21, $0xE;
	s24 =	simm.s32 $0x0;
	s22 =	sor.u32 @!p0 $0x8000, s18  }
.LBB1_4:
0x54: {  	s25 =	sshll.u32 s24, $0x10  }
0x55: {  	s26 =	smul.u32 $0x10200, s24;
	s25 =	sshra.s32 s25, $0x2  }
0x56: {  	p0 =	sne.s32 s20, $0x1;
	s28 =	sand.u32 $0x3F80, s23;
	s27 =	sadd.s32 s25, s21  }
0x57: {  	s29 =	simm.s32 $0x10;
	s1 =	simm.s32 $0x30;
	s0 =	simm.s32 $0x50;
	v0 =	vmov s27  }
0x58: {  	s8 =	sand.u32 $0x7F, s23;
	s29 =	sand.u32 $0x78, s29;
	s1 =	sand.u32 $0x78, s1  }
0x59: {  	s0 =	sand.u32 $0x78, s0;
	s29 =	smul.u32 $0x204, s29;
	s27 =	simm.s32 $0x0  }
0x5a: {  	s31 =	sshra.s32 s26, $0x2;
	s1 =	smul.u32 $0x204, s1;
	s27 =	sand.u32 $0x78, s27  }
0x5b: {  	s26 =	simm.s32 $0x1;
	s0 =	smul.u32 $0x204, s0;
	s30 =	sxor.u32 $0x40, s27  }
0x5c: {  	s25 =	sadd.s32 s31, s22;
	s31 =	simm.s32 $0x20;
	s30 =	smul.u32 $0x204, s30;
	v1 =	vld.idx.msk [tilespmem:v0+s28+$0x40 ss:$0x1], $0xffff  }
0x5d: {  	s31 =	sand.u32 $0x78, s31;
	s29 =	sshrl.u32 s29, $0x2;
	s27 =	smul.u32 $0x204, s27;
	v2 =	vld.idx.msk [tilespmem:v0+s28+$0x0 ss:$0x1], $0xffff  }
0x5e: {  	s1 =	sshrl.u32 s1, $0x2;
	s0 =	sshrl.u32 s0, $0x2;
	s30 =	sshrl.u32 s30, $0x2;
	v3 =	vld.idx.msk [tilespmem:v0+s28+$0x10 ss:$0x1], $0xffff  }
0x5f: {  	s31 =	smul.u32 $0x204, s31;
	s27 =	sshrl.u32 s27, $0x2;
	v4 =	vld.idx.msk [tilespmem:v0+s28+$0x20 ss:$0x1], $0xffff;
	s30 =	sadd.s32 s30, s25  }
.Ltmp4:
0x60: {  	s27 =	sadd.s32 s27, s25;
	s30 =	sadd.s32 s8, s30;
	(pc) =	sbr.rel @!p0 .LBB1_6-.Ltmp4, $4  }
0x61: {  	s29 =	sadd.s32 s29, s25;
	s31 =	sshrl.u32 s31, $0x2;
	s27 =	sadd.s32 s8, s27;
	[tilespmem:s30+$0x0 ss:$0x81] =	vst.msk $0xffff, v1;
	v1 =	vld.idx.msk [tilespmem:v0+s28+$0x30 ss:$0x1], $0xffff  }
0x62: {  	s1 =	sadd.s32 s1, s25;
	s30 =	sadd.s32 s31, s25;
	[tilespmem:s27+$0x0 ss:$0x81] =	vst.msk $0xffff, v2;
	s27 =	sadd.s32 s8, s29;
	v2 =	vld.idx.msk [tilespmem:v0+s28+$0x50 ss:$0x1], $0xffff  }
0x63: {  	s0 =	sadd.s32 s0, s25;
	s29 =	sadd.s32 s8, s1;
	[tilespmem:s27+$0x0 ss:$0x81] =	vst.msk $0xffff, v3;
	s27 =	sadd.s32 s8, s30  }
0x64: {  	s28 =	simm.s32 $0x0;
	s30 =	sadd.s32 s8, s0;
	[tilespmem:s27+$0x0 ss:$0x81] =	vst.msk $0xffff, v4;
	s27 =	simm.s32 $0x2808  }
.LBB1_5:
0x65: {  	s0 =	sadd.s32 $0xFFFFD800, s27;
	s1 =	sadd.s32 $0xFFFFE000, s27  }
0x66: {  	[tilespmem:s29+$0x0 ss:$0x81] =	vst.msk $0xffff, v1;
	s8 =	smov.u32 s26;
	s26 =	sadd.s32 $0x1, s26;
	s28 =	sadd.s32 $0x80, s28  }
0x67: {  	s31 =	sadd.s32 $0xFFFFF000, s27;
	s0 =	sshrl.u32 s0, $0x7;
	p0 =	sne.s32 s20, s26;
	[tilespmem:s30+$0x0 ss:$0x81] =	vst.msk $0xffff, v2  }
0x68: {  	s29 =	sand.u32 $0x3F80, s28;
	s30 =	sadd.s32 $0xFFFFE800, s27;
	s0 =	sand.u32 $0x78, s0  }
0x69: {  	s4 =	sshrl.u32 s27, $0x7;
	s1 =	sshrl.u32 s1, $0x7;
	v3 =	vld.idx.msk [tilespmem:v0+s29+$0x40 ss:$0x1], $0xffff;
	s6 =	sxor.u32 $0x40, s0  }
0x6a: {  	s31 =	sshrl.u32 s31, $0x7;
	s30 =	sshrl.u32 s30, $0x7;
	v4 =	vld.idx.msk [tilespmem:v0+s29+$0x0 ss:$0x1], $0xffff;
	s6 =	smul.u32 $0x204, s6  }
0x6b: {  	s4 =	sand.u32 $0x78, s4;
	s1 =	sand.u32 $0x78, s1;
	s30 =	sand.u32 $0x78, s30;
	v5 =	vld.idx.msk [tilespmem:v0+s29+$0x10 ss:$0x1], $0xffff  }
0x6c: {  	s31 =	sand.u32 $0x78, s31;
	s4 =	smul.u32 $0x204, s4;
	v6 =	vld.idx.msk [tilespmem:v0+s29+$0x20 ss:$0x1], $0xffff;
	s6 =	sshrl.u32 s6, $0x2  }
0x6d: {  	s8 =	sand.u32 $0x7F, s8;
	s0 =	smul.u32 $0x204, s0;
	v1 =	vld.idx.msk [tilespmem:v0+s29+$0x30 ss:$0x1], $0xffff;
	s6 =	sadd.s32 s6, s25  }
0x6e: {  	s1 =	smul.u32 $0x204, s1;
	s6 =	sadd.s32 s8, s6;
	v2 =	vld.idx.msk [tilespmem:v0+s29+$0x50 ss:$0x1], $0xffff  }
0x6f: {  	s0 =	sshrl.u32 s0, $0x2;
	s29 =	smul.u32 $0x204, s30;
	[tilespmem:s6+$0x0 ss:$0x81] =	vst.msk $0xffff, v3  }
0x70: {  	s1 =	sshrl.u32 s1, $0x2;
	s0 =	sadd.s32 s0, s25;
	s6 =	smul.u32 $0x204, s31  }
.Ltmp5:
0x71: {  	s1 =	sadd.s32 s1, s25;
	s29 =	sshrl.u32 s29, $0x2;
	(pc) =	sbr.rel @p0 .LBB1_5-.Ltmp5, $4  }
0x72: {  	s0 =	sadd.s32 s8, s0;
	s29 =	sadd.s32 s29, s25;
	s6 =	sshrl.u32 s6, $0x2  }
0x73: {  	s4 =	sshrl.u32 s4, $0x2;
	[tilespmem:s0+$0x0 ss:$0x81] =	vst.msk $0xffff, v4;
	s0 =	sadd.s32 s8, s1;
	s1 =	sadd.s32 s6, s25  }
0x74: {  	[tilespmem:s0+$0x0 ss:$0x81] =	vst.msk $0xffff, v5;
	s0 =	sadd.s32 s8, s29;
	s29 =	sadd.s32 s8, s1;
	s1 =	sadd.s32 s4, s25  }
0x75: {  	s27 =	sadd.s32 $0x8, s27;
	[tilespmem:s0+$0x0 ss:$0x81] =	vst.msk $0xffff, v6;
	s30 =	sadd.s32 s8, s1  }
.LBB1_6:
0x76: {  	s24 =	sadd.s32 $0x1, s24  }
0x77: {  	p0 =	sne.s32 s24, s19  }
.Ltmp6:
0x78: {  	_ = 	snop;
	(pc) =	sbr.rel @p0 .LBB1_4-.Ltmp6, $4  }
.Ltmp7:
0x79: {  	_ = 	snop;
	(pc) =	sbr.rel @!p0 .LBB1_7-.Ltmp7, $4  }
0x7a: {  	_ = 	snop  }
0x7b: {  	[tilespmem:s29+$0x0 ss:$0x81] =	vst.msk $0xffff, v1  }
0x7c: {  	[tilespmem:s30+$0x0 ss:$0x81] =	vst.msk $0xffff, v2  }
0x7d: {  	_ = 	snop  }
.LBB1_9:
0x7e: {  	_ =	sfence.sel $0x180000  }
0x7f: {  	s0 =	simm.s32 $0x1;
	[bflag:$0x0] =	sbarrier.arrive $0xFFFF  }
0x80: {  	s30 =	simm.s32 $0x2;
	[sflag:s0] =	ssyncpa.u1 $0x1  }
0x81: {  	[sflag:s30] =	ssyncpa.u1 $0x1  }
0x82: {  	_ =	strace $0x9000004A  }
0x83: {  	s31 =	stileid.u32;
	[bflag:$0x2] =	sbarrier.arrive $0xFFFF  }
0x84: {  	p0 =	sne.s32 s31, $0x0;
	s0 =	rddreg [dreg:$0x1]  }
0x85: {  	s0 =	sadd.s32 @!p0 $0x100000, s0  }
0x86: {  	[sflag:s0] =	ssyncadd.tile.s32 @!p0 $0x1;
	_ =	shalt  }
.Lfunc_end1:
_tile_overlayer_lowered:
.L_overlay_start_2:
0x87: {  	(tag) =	ssettag $0x2  }
0x88: {  	s0 =	rddreg [dreg:$0x0];
	s2 =	stileid.u32  }
0x89: {  	s1 =	rddreg [dreg:$0x1];
	p0 =	sne.s32 s2, $0x0  }
0x8a: {  	s3 =	rddreg [dreg:$0x2];
	[bflag:$0x3] =	sbarrier.arrive $0xFFFF;
	s2 =	simm.s32 @!p0 $0x1C01  }
0x8b: {  	[timem:s3], [sflag:s2] =	dma.local @!p0 [hbm:s0], s1  }
0x8c: {  	s0 =	simm.s32 @!p0 $0x1  }
0x8d: {  	_ =	swait.ge @!p0 [sflag:s0], s1  }
0x8e: {  	s1 =	ssub.s32 @!p0 $0x0, s1;
	[sflag:s0] =	ssyncset.done @!p0 $0x0  }
0x8f: {  	[sflag:s0] =	ssyncadd.s32 @!p0 s1  }
0x90: {  	[bflag:$0x3] =	sbarrier.arrive $0xFFFF  }
0x91: {  	_ =	shalt  }

</sc_bundles>
